<compile_context>
chip_gen: v7x
topology: tpu7x:2x2x1
jax: 0.10.2.dev20260603
libtpu: 0.0.44.dev20260713+nightly
codegen_flags: <defaults>
</compile_context>

<pallas_src>
import math
import functools

import jax
import jax.numpy as jnp
from jax import lax
from jax.experimental import pallas as pl
from jax.experimental.pallas import tpu as pltpu
from jax.experimental.pallas import tpu_sc as plsc

B, N, V, K = 32, 8, 32768, 8
H = V // 16
R = B * N
RB = 32
NRB = R // RB
VC = 1024
NVC = V // VC
EPS = 1e-3

_SC_W = 32
_IPW = (R * K) // _SC_W


def _stats_topk_body(x_ref, idx_ref, pn_ref, en_ref):
    x = x_ref[...]
    rowmax = jnp.max(x, axis=1, keepdims=True)
    e = jnp.exp(x - rowmax)
    denom = jnp.sum(e, axis=1, keepdims=True)
    energy = jnp.mean(x, axis=1, keepdims=True)
    iota = jax.lax.broadcasted_iota(jnp.int32, (RB, V), 1)
    work = e
    vals, idxs = [], []
    for k in range(K):
        if k == 0:
            m = jnp.full((RB, 1), 1.0, jnp.float32)
        else:
            m = jnp.max(work, axis=1, keepdims=True)
        cand = jnp.where(work == m, iota, V)
        sel = jnp.min(cand, axis=1, keepdims=True)
        if k != K - 1:
            work = jnp.where(cand == sel, -1.0, work)
        vals.append(m)
        idxs.append(sel)
    p = jnp.concatenate(vals, axis=1) / denom
    pn = p / (jnp.sum(p, axis=1, keepdims=True) + 1e-9)
    idx_ref[...] = jnp.concatenate(idxs, axis=1)
    pn_ref[...] = pn
    en_ref[...] = jnp.broadcast_to(energy, (RB, K))


def _hd_gather_sc_body(hd_hbm, idx_hbm, out_hbm, hd_v, idx_v, out_v):
    wid = lax.axis_index("s") * 2 + lax.axis_index("c")
    base = wid * _IPW
    pltpu.sync_copy(hd_hbm, hd_v)
    pltpu.sync_copy(idx_hbm.at[pl.ds(base, _IPW)], idx_v)
    for i in range(_IPW // 16):
        ix = idx_v[pl.ds(i * 16, 16)]
        out_v[pl.ds(i * 16, 16)] = plsc.load_gather(hd_v, [ix])
    pltpu.sync_copy(out_v, out_hbm.at[pl.ds(base, _IPW)])


def _mm_combine_body(up_ref, w1_ref, b1_ref, w2_ref, idx_ref, pn_ref,
                     hv_ref, en_ref, b2_ref,
                     tok_ref, cp_ref, eb_ref, ea_ref, er_ref, le_ref,
                     acc_ref):
    v = pl.program_id(0)

    @pl.when(v == 0)
    def _():
        acc_ref[...] = jnp.zeros_like(acc_ref)

    a = up_ref[...].astype(jnp.bfloat16)
    w = w1_ref[...].astype(jnp.bfloat16)
    acc_ref[...] += jnp.dot(a, w, preferred_element_type=jnp.float32)

    @pl.when(v == NVC - 1)
    def _():
        hact = jnp.tanh(acc_ref[...] + b1_ref[...])
        z = jnp.sum(hact * w2_ref[...], axis=1, keepdims=True)
        pn = pn_ref[...]
        le = jax.nn.sigmoid(z + b2_ref[...])
        cs = 1.0 - le
        energy = en_ref[:, 0:1]
        d = hv_ref[...] - energy
        obs = (EPS / math.pi) / (d * d + EPS * EPS) * cs
        cpu_ = pn * obs
        cp = cpu_ / (jnp.sum(cpu_, axis=1, keepdims=True) + 1e-9)
        eb = -jnp.sum(pn * jnp.log(pn + 1e-9), axis=1, keepdims=True)
        ea = -jnp.sum(cp * jnp.log(cp + 1e-9), axis=1, keepdims=True)
        io = jax.lax.broadcasted_iota(jnp.int32, (R, K), 1)
        m = jnp.max(cp, axis=1, keepdims=True)
        cand = jnp.where(cp == m, io, K)
        s = jnp.min(cand, axis=1, keepdims=True)
        tok_ref[...] = jnp.sum(jnp.where(cand == s, idx_ref[...], 0), axis=1,
                               keepdims=True)
        cp_ref[...] = cp
        eb_ref[...] = eb
        ea_ref[...] = ea
        er_ref[...] = (eb - ea) / (eb + 1e-6)
        le_ref[...] = le


@jax.jit
def kernel(logits, user_prompt, H0, V_diag, W1, b1, W2, b2):
    f32 = jnp.float32
    x = logits.reshape(R, V)
    up = user_prompt.reshape(R, V)
    hd = H0 + V_diag

    idx, pn, en = pl.pallas_call(
        _stats_topk_body,
        grid=(NRB,),
        in_specs=[pl.BlockSpec((RB, V), lambda i: (i, 0))],
        out_specs=[
            pl.BlockSpec((RB, K), lambda i: (i, 0)),
            pl.BlockSpec((RB, K), lambda i: (i, 0)),
            pl.BlockSpec((RB, K), lambda i: (i, 0)),
        ],
        out_shape=[
            jax.ShapeDtypeStruct((R, K), jnp.int32),
            jax.ShapeDtypeStruct((R, K), f32),
            jax.ShapeDtypeStruct((R, K), f32),
        ],
        compiler_params=pltpu.CompilerParams(
            dimension_semantics=("arbitrary",)),
    )(x)

    hv_flat = pl.kernel(
        _hd_gather_sc_body,
        mesh=plsc.VectorSubcoreMesh(core_axis_name="c", subcore_axis_name="s"),
        out_type=jax.ShapeDtypeStruct((R * K,), f32),
        scratch_types=[
            pltpu.VMEM((V,), f32),
            pltpu.VMEM((_IPW,), jnp.int32),
            pltpu.VMEM((_IPW,), f32),
        ],
        compiler_params=pltpu.CompilerParams(needs_layout_passes=False),
    )(hd, idx.reshape(R * K))
    hv = hv_flat.reshape(R, K)

    tok, cp, eb, ea, er, le = pl.pallas_call(
        _mm_combine_body,
        grid=(NVC,),
        in_specs=[
            pl.BlockSpec((R, VC), lambda v: (0, v)),
            pl.BlockSpec((VC, H), lambda v: (v, 0)),
            pl.BlockSpec((1, H), lambda v: (0, 0)),
            pl.BlockSpec((1, H), lambda v: (0, 0)),
            pl.BlockSpec((R, K), lambda v: (0, 0)),
            pl.BlockSpec((R, K), lambda v: (0, 0)),
            pl.BlockSpec((R, K), lambda v: (0, 0)),
            pl.BlockSpec((R, K), lambda v: (0, 0)),
            pl.BlockSpec((1, 1), lambda v: (0, 0)),
        ],
        out_specs=[
            pl.BlockSpec((R, 1), lambda v: (0, 0)),
            pl.BlockSpec((R, K), lambda v: (0, 0)),
            pl.BlockSpec((R, 1), lambda v: (0, 0)),
            pl.BlockSpec((R, 1), lambda v: (0, 0)),
            pl.BlockSpec((R, 1), lambda v: (0, 0)),
            pl.BlockSpec((R, 1), lambda v: (0, 0)),
        ],
        out_shape=[
            jax.ShapeDtypeStruct((R, 1), jnp.int32),
            jax.ShapeDtypeStruct((R, K), f32),
            jax.ShapeDtypeStruct((R, 1), f32),
            jax.ShapeDtypeStruct((R, 1), f32),
            jax.ShapeDtypeStruct((R, 1), f32),
            jax.ShapeDtypeStruct((R, 1), f32),
        ],
        scratch_shapes=[pltpu.VMEM((R, H), f32)],
        compiler_params=pltpu.CompilerParams(
            dimension_semantics=("arbitrary",)),
    )(up, W1, b1.reshape(1, H), W2.reshape(1, H),
      idx, pn, hv, en, b2.reshape(1, 1))

    return (tok.reshape(B, N), pn.reshape(B, N, K), cp.reshape(B, N, K),
            eb.reshape(B, N), ea.reshape(B, N), er.reshape(B, N),
            le.reshape(B, N))

# --- scband reference (transcript-rebuilt; emitter-appended) ---
"""Pipeline reference for scband-quantum-observer-7464653160651 (READ-ONLY COPY).

The authoritative reference and input builder live on the scoring server;
editing this copy changes nothing except your own understanding.
"""

import jax, jax.numpy as jnp
import numpy as np

B, N, V, K = 32, 8, 32768, 8
H = V // 16

def setup_inputs(seed: int = 0) -> dict:
    key = jax.random.key(seed)
    ks = jax.random.split(key, 6)
    logits = jax.random.normal(ks[0], (B, N, V), dtype=jnp.float32)
    user_prompt = jax.random.uniform(ks[1], (B, N, V), dtype=jnp.float32)
    # ScatteringOperator buffers
    H0 = jnp.linspace(-1.0, 1.0, V).astype(jnp.float32)
    V_diag = (jax.random.normal(ks[2], (V,), dtype=jnp.float32) * 0.1)
    # logical_entropy_net params: Linear(V, V//16) -> Tanh -> Linear(V//16, 1) -> Sigmoid
    W1 = jax.random.normal(ks[3], (V, H), dtype=jnp.float32) * (1.0 / np.sqrt(V))
    b1 = jnp.zeros((H,), dtype=jnp.float32)
    W2 = jax.random.normal(ks[4], (H, 1), dtype=jnp.float32) * (1.0 / np.sqrt(H))
    b2 = jnp.zeros((1,), dtype=jnp.float32)
    return {"logits": logits, "user_prompt": user_prompt, "H0": H0, "V_diag": V_diag,
            "W1": W1, "b1": b1, "W2": W2, "b2": b2}

def _entropy(p):
    return -(p * jnp.log(p + 1e-9)).sum(axis=-1)

def reference(logits, user_prompt, H0, V_diag, W1, b1, W2, b2):
    probs = jax.nn.softmax(logits, axis=-1)
    top_k_probs, top_k_indices = jax.lax.top_k(probs, K)
    top_k_probs = top_k_probs / (top_k_probs.sum(axis=-1, keepdims=True) + 1e-9)
    # logical entropy net
    h = jnp.tanh(jnp.matmul(user_prompt, W1) + b1)
    logical_entropy = jax.nn.sigmoid(jnp.matmul(h, W2) + b2).squeeze(-1)  # (B, N)
    collapse_strength = 1.0 - logical_entropy
    # observation operator via Stone's formula on resolvent
    epsilon = 0.001
    energy = logits.mean(axis=-1, keepdims=True)  # (B, N, 1)
    z = energy + 1j * epsilon
    H_diag = H0 + V_diag  # (V,)
    denom = H_diag[None, None, :] - z
    R_z = 1.0 / denom
    obs_operator = jnp.abs(-jnp.imag(R_z) / np.pi)
    obs_operator = obs_operator * collapse_strength[..., None]
    obs_weights = jnp.take_along_axis(obs_operator, top_k_indices, axis=-1)
    collapsed_probs = top_k_probs * obs_weights
    collapsed_probs = collapsed_probs / (collapsed_probs.sum(axis=-1, keepdims=True) + 1e-9)
    entropy_before = _entropy(top_k_probs)
    entropy_after = _entropy(collapsed_probs)
    entropy_reduction = (entropy_before - entropy_after) / (entropy_before + 1e-6)
    final_indices_local = jnp.argmax(collapsed_probs, axis=-1, keepdims=True)
    collapsed_tokens = jnp.take_along_axis(top_k_indices, final_indices_local, axis=-1).squeeze(-1)
    return (collapsed_tokens, top_k_probs, collapsed_probs, entropy_before,
            entropy_after, entropy_reduction, logical_entropy)

if __name__ == "__main__":
    import jax
    _d = setup_inputs()
    print(jax.jit(kernel)(*tuple(_d.values())))

</pallas_src>

<mosaic_0001>
#map = affine_map<(d0, d1) -> (0)>
module attributes {stable_mosaic.version = 14 : i64} {
  func.func @_hd_gather_sc_body(%arg0: i32, %arg1: i32, %arg2: memref<32768xf32, #tpu.memory_space<hbm>>, %arg3: memref<2048xi32, #tpu.memory_space<hbm>>, %arg4: memref<2048xf32, #tpu.memory_space<hbm>>, %arg5: memref<32768xf32, #tpu.memory_space<vmem>>, %arg6: memref<64xi32, #tpu.memory_space<vmem>>, %arg7: memref<64xf32, #tpu.memory_space<vmem>>) attributes {dimension_semantics = [#tpu.dimension_semantics<core_parallel>, #tpu.dimension_semantics<subcore_parallel>], iteration_bounds = array<i64: 2, 16>, scalar_prefetch = 0 : i64, scratch_operands = 3 : i64, tpu.core_type = #tpu.core_type<sc_vector_subcore>, window_params = [{transform_indices = #map}, {transform_indices = #map}, {transform_indices = #map}]} {
    %mul3A = arith.constant 2 : i32
    %mul3A_0 = arith.muli %arg1, %mul3A : i32
    %add3A = arith.addi %mul3A_0, %arg0 : i32
    %mul3A_1 = arith.constant 64 : i32
    %mul3A_2 = arith.muli %add3A, %mul3A_1 : i32
    "tpu.region"() ({
      %run_scoped3A = tpu.sem_alloc : memref<!tpu.dma_semaphore, #tpu.memory_space<semaphore_mem>>
      tpu.enqueue_dma source(%arg2 : memref<32768xf32, #tpu.memory_space<hbm>>) target(%arg5 : memref<32768xf32, #tpu.memory_space<vmem>>) target_semaphore(%run_scoped3A : memref<!tpu.dma_semaphore, #tpu.memory_space<semaphore_mem>>)
      tpu.wait_dma2 semaphore(%run_scoped3A : memref<!tpu.dma_semaphore, #tpu.memory_space<semaphore_mem>>) src(%arg2 : memref<32768xf32, #tpu.memory_space<hbm>>) dst(%arg5 : memref<32768xf32, #tpu.memory_space<vmem>>)
      tpu.yield
    }) : () -> ()
    "tpu.region"() ({
      %run_scoped3A = tpu.sem_alloc : memref<!tpu.dma_semaphore, #tpu.memory_space<semaphore_mem>>
      %dma_start3A = tpu.memref_slice %arg3[%mul3A_2] : memref<2048xi32, #tpu.memory_space<hbm>> -> memref<64xi32, #tpu.memory_space<hbm>>
      %dma_start3A_20 = tpu.memref_slice %arg3[%mul3A_2] : memref<2048xi32, #tpu.memory_space<hbm>> -> memref<64xi32, #tpu.memory_space<hbm>>
      tpu.enqueue_dma source(%dma_start3A_20 : memref<64xi32, #tpu.memory_space<hbm>>) target(%arg6 : memref<64xi32, #tpu.memory_space<vmem>>) target_semaphore(%run_scoped3A : memref<!tpu.dma_semaphore, #tpu.memory_space<semaphore_mem>>)
      %dma_wait3A = tpu.memref_slice %arg3[%mul3A_2] : memref<2048xi32, #tpu.memory_space<hbm>> -> memref<64xi32, #tpu.memory_space<hbm>>
      %dma_wait3A_21 = tpu.memref_slice %arg3[%mul3A_2] : memref<2048xi32, #tpu.memory_space<hbm>> -> memref<64xi32, #tpu.memory_space<hbm>>
      tpu.wait_dma2 semaphore(%run_scoped3A : memref<!tpu.dma_semaphore, #tpu.memory_space<semaphore_mem>>) src(%dma_wait3A_21 : memref<64xi32, #tpu.memory_space<hbm>>) dst(%arg6 : memref<64xi32, #tpu.memory_space<vmem>>)
      tpu.yield
    }) : () -> ()
    %get3A = arith.constant 0 : index
    %get3A_3 = tpu.vector_load %arg6[%get3A] {strides = array<i32>} : memref<64xi32, #tpu.memory_space<vmem>>, vector<16xi32>,
    %gather3A = tpu.vector_load_idx %arg5[%get3A_3] : memref<32768xf32, #tpu.memory_space<vmem>>[vector<16xi32>], vector<16xf32>,
    %swap3A = arith.constant 0 : index
    %swap3A_4 = tpu.vector_load %arg7[%swap3A] {strides = array<i32>} : memref<64xf32, #tpu.memory_space<vmem>>, vector<16xf32>,
    tpu.vector_store %arg7[%swap3A], %gather3A {strides = array<i32>} : memref<64xf32, #tpu.memory_space<vmem>>, vector<16xf32>,
    %get3A_5 = arith.constant 16 : index
    %get3A_6 = tpu.vector_load %arg6[%get3A_5] {strides = array<i32>} : memref<64xi32, #tpu.memory_space<vmem>>, vector<16xi32>,
    %gather3A_7 = tpu.vector_load_idx %arg5[%get3A_6] : memref<32768xf32, #tpu.memory_space<vmem>>[vector<16xi32>], vector<16xf32>,
    %swap3A_8 = arith.constant 16 : index
    %swap3A_9 = tpu.vector_load %arg7[%swap3A_8] {strides = array<i32>} : memref<64xf32, #tpu.memory_space<vmem>>, vector<16xf32>,
    tpu.vector_store %arg7[%swap3A_8], %gather3A_7 {strides = array<i32>} : memref<64xf32, #tpu.memory_space<vmem>>, vector<16xf32>,
    %get3A_10 = arith.constant 32 : index
    %get3A_11 = tpu.vector_load %arg6[%get3A_10] {strides = array<i32>} : memref<64xi32, #tpu.memory_space<vmem>>, vector<16xi32>,
    %gather3A_12 = tpu.vector_load_idx %arg5[%get3A_11] : memref<32768xf32, #tpu.memory_space<vmem>>[vector<16xi32>], vector<16xf32>,
    %swap3A_13 = arith.constant 32 : index
    %swap3A_14 = tpu.vector_load %arg7[%swap3A_13] {strides = array<i32>} : memref<64xf32, #tpu.memory_space<vmem>>, vector<16xf32>,
    tpu.vector_store %arg7[%swap3A_13], %gather3A_12 {strides = array<i32>} : memref<64xf32, #tpu.memory_space<vmem>>, vector<16xf32>,
    %get3A_15 = arith.constant 48 : index
    %get3A_16 = tpu.vector_load %arg6[%get3A_15] {strides = array<i32>} : memref<64xi32, #tpu.memory_space<vmem>>, vector<16xi32>,
    %gather3A_17 = tpu.vector_load_idx %arg5[%get3A_16] : memref<32768xf32, #tpu.memory_space<vmem>>[vector<16xi32>], vector<16xf32>,
    %swap3A_18 = arith.constant 48 : index
    %swap3A_19 = tpu.vector_load %arg7[%swap3A_18] {strides = array<i32>} : memref<64xf32, #tpu.memory_space<vmem>>, vector<16xf32>,
    tpu.vector_store %arg7[%swap3A_18], %gather3A_17 {strides = array<i32>} : memref<64xf32, #tpu.memory_space<vmem>>, vector<16xf32>,
    "tpu.region"() ({
      %run_scoped3A = tpu.sem_alloc : memref<!tpu.dma_semaphore, #tpu.memory_space<semaphore_mem>>
      %dma_start3A = tpu.memref_slice %arg4[%mul3A_2] : memref<2048xf32, #tpu.memory_space<hbm>> -> memref<64xf32, #tpu.memory_space<hbm>>
      %dma_start3A_20 = tpu.memref_slice %arg4[%mul3A_2] : memref<2048xf32, #tpu.memory_space<hbm>> -> memref<64xf32, #tpu.memory_space<hbm>>
      tpu.enqueue_dma source(%arg7 : memref<64xf32, #tpu.memory_space<vmem>>) target(%dma_start3A_20 : memref<64xf32, #tpu.memory_space<hbm>>) target_semaphore(%run_scoped3A : memref<!tpu.dma_semaphore, #tpu.memory_space<semaphore_mem>>)
      %dma_wait3A = tpu.memref_slice %arg4[%mul3A_2] : memref<2048xf32, #tpu.memory_space<hbm>> -> memref<64xf32, #tpu.memory_space<hbm>>
      %dma_wait3A_21 = tpu.memref_slice %arg4[%mul3A_2] : memref<2048xf32, #tpu.memory_space<hbm>> -> memref<64xf32, #tpu.memory_space<hbm>>
      tpu.wait_dma2 semaphore(%run_scoped3A : memref<!tpu.dma_semaphore, #tpu.memory_space<semaphore_mem>>) src(%arg7 : memref<64xf32, #tpu.memory_space<vmem>>) dst(%dma_wait3A_21 : memref<64xf32, #tpu.memory_space<hbm>>)
      tpu.yield
    }) : () -> ()
    return
  }
}

module attributes {stable_mosaic.version = 14 : i64} {
  func.func @_mm_combine_body(%arg0: i32, %arg1: memref<256x1024xf32, #tpu.memory_space<vmem>>, %arg2: memref<1024x2048xf32, #tpu.memory_space<vmem>>, %arg3: memref<1x2048xf32, #tpu.memory_space<vmem>>, %arg4: memref<1x2048xf32, #tpu.memory_space<vmem>>, %arg5: memref<256x8xi32, #tpu.memory_space<vmem>>, %arg6: memref<256x8xf32, #tpu.memory_space<vmem>>, %arg7: memref<256x8xf32, #tpu.memory_space<vmem>>, %arg8: memref<256x8xf32, #tpu.memory_space<vmem>>, %arg9: memref<1x1xf32, #tpu.memory_space<vmem>>, %arg10: memref<256x1xi32, #tpu.memory_space<vmem>>, %arg11: memref<256x8xf32, #tpu.memory_space<vmem>>, %arg12: memref<256x1xf32, #tpu.memory_space<vmem>>, %arg13: memref<256x1xf32, #tpu.memory_space<vmem>>, %arg14: memref<256x1xf32, #tpu.memory_space<vmem>>, %arg15: memref<256x1xf32, #tpu.memory_space<vmem>>, %arg16: memref<256x2048xf32, #tpu.memory_space<vmem>>) attributes {dimension_semantics = [#tpu.dimension_semantics<arbitrary>], iteration_bounds = array<i64: 32>, scalar_prefetch = 0 : i64, scratch_operands = 1 : i64, tpu.core_type = #tpu.core_type<tc>, window_params = [{transform_indices = @transform_0, window_bounds = array<i64: 256, 1024>}, {transform_indices = @transform_1, window_bounds = array<i64: 1024, 2048>}, {pipeline_mode = #tpu.pipeline_mode<synchronous>, transform_indices = @transform_2, window_bounds = array<i64: 1, 2048>}, {pipeline_mode = #tpu.pipeline_mode<synchronous>, transform_indices = @transform_3, window_bounds = array<i64: 1, 2048>}, {pipeline_mode = #tpu.pipeline_mode<synchronous>, transform_indices = @transform_4, window_bounds = array<i64: 256, 8>}, {pipeline_mode = #tpu.pipeline_mode<synchronous>, transform_indices = @transform_5, window_bounds = array<i64: 256, 8>}, {pipeline_mode = #tpu.pipeline_mode<synchronous>, transform_indices = @transform_6, window_bounds = array<i64: 256, 8>}, {pipeline_mode = #tpu.pipeline_mode<synchronous>, transform_indices = @transform_7, window_bounds = array<i64: 256, 8>}, {pipeline_mode = #tpu.pipeline_mode<synchronous>, transform_indices = @transform_8, window_bounds = array<i64: 1, 1>}, {pipeline_mode = #tpu.pipeline_mode<synchronous>, transform_indices = @transform_9, window_bounds = array<i64: 256, 1>}, {pipeline_mode = #tpu.pipeline_mode<synchronous>, transform_indices = @transform_10, window_bounds = array<i64: 256, 8>}, {pipeline_mode = #tpu.pipeline_mode<synchronous>, transform_indices = @transform_11, window_bounds = array<i64: 256, 1>}, {pipeline_mode = #tpu.pipeline_mode<synchronous>, transform_indices = @transform_12, window_bounds = array<i64: 256, 1>}, {pipeline_mode = #tpu.pipeline_mode<synchronous>, transform_indices = @transform_13, window_bounds = array<i64: 256, 1>}, {pipeline_mode = #tpu.pipeline_mode<synchronous>, transform_indices = @transform_14, window_bounds = array<i64: 256, 1>}]} {
    %eq3A = arith.constant 0 : i32
    %eq3A_0 = arith.cmpi eq, %arg0, %eq3A : i32
    %convert_element_type3A = arith.extui %eq3A_0 : i1 to i32
    %cond3A = arith.constant 0 : i32
    %cond3A_1 = arith.cmpi ne, %convert_element_type3A, %cond3A : i32
    scf.if %cond3A_1 {
      %broadcast_in_dim3A = arith.constant 0.000000e+00 : f32
      %broadcast_in_dim3A_20 = vector.broadcast %broadcast_in_dim3A : f32 to vector<256x2048xf32>
      %swap3A_21 = arith.constant 0 : index
      %swap3A_22 = arith.constant 0 : index
      %swap3A_23 = vector.load %arg16[%swap3A_21, %swap3A_22] : memref<256x2048xf32, #tpu.memory_space<vmem>>, vector<256x2048xf32>
      tpu.vector_store %arg16[%swap3A_21, %swap3A_22], %broadcast_in_dim3A_20 {strides = array<i32>} : memref<256x2048xf32, #tpu.memory_space<vmem>>, vector<256x2048xf32>,
    } else {
    }
    %get3A = arith.constant 0 : index
    %get3A_2 = arith.constant 0 : index
    %get3A_3 = vector.load %arg1[%get3A, %get3A_2] : memref<256x1024xf32, #tpu.memory_space<vmem>>, vector<256x1024xf32>
    %convert_element_type3A_4 = arith.truncf %get3A_3 : vector<256x1024xf32> to vector<256x1024xbf16>
    %get3A_5 = arith.constant 0 : index
    %get3A_6 = arith.constant 0 : index
    %get3A_7 = vector.load %arg2[%get3A_5, %get3A_6] : memref<1024x2048xf32, #tpu.memory_space<vmem>>, vector<1024x2048xf32>
    %convert_element_type3A_8 = arith.truncf %get3A_7 : vector<1024x2048xf32> to vector<1024x2048xbf16>
    %get3A_9 = arith.constant 0 : index
    %get3A_10 = arith.constant 0 : index
    %get3A_11 = vector.load %arg16[%get3A_9, %get3A_10] : memref<256x2048xf32, #tpu.memory_space<vmem>>, vector<256x2048xf32>
    %dot_general3A = arith.constant dense<0.000000e+00> : vector<256x2048xf32>
    %dot_general3A_12 = tpu.matmul %convert_element_type3A_4, %convert_element_type3A_8, %dot_general3A {dimension_numbers = #tpu.dot_dimension_numbers<[1], [0], [0], [1], [0, 0, 1, 1], [], []>, transpose_lhs_hint = false} : vector<256x1024xbf16>, vector<1024x2048xbf16>, vector<256x2048xf32> -> vector<256x2048xf32>
    %add3A = arith.addf %get3A_11, %dot_general3A_12 : vector<256x2048xf32>
    %swap3A = arith.constant 0 : index
    %swap3A_13 = arith.constant 0 : index
    %swap3A_14 = vector.load %arg16[%swap3A, %swap3A_13] : memref<256x2048xf32, #tpu.memory_space<vmem>>, vector<256x2048xf32>
    tpu.vector_store %arg16[%swap3A, %swap3A_13], %add3A {strides = array<i32>} : memref<256x2048xf32, #tpu.memory_space<vmem>>, vector<256x2048xf32>,
    %eq3A_15 = arith.constant 31 : i32
    %eq3A_16 = arith.cmpi eq, %arg0, %eq3A_15 : i32
    %convert_element_type3A_17 = arith.extui %eq3A_16 : i1 to i32
    %cond3A_18 = arith.constant 0 : i32
    %cond3A_19 = arith.cmpi ne, %convert_element_type3A_17, %cond3A_18 : i32
    scf.if %cond3A_19 {
      %get3A_20 = arith.constant 0 : index
      %get3A_21 = arith.constant 0 : index
      %get3A_22 = vector.load %arg16[%get3A_20, %get3A_21] : memref<256x2048xf32, #tpu.memory_space<vmem>>, vector<256x2048xf32>
      %get3A_23 = arith.constant 0 : index
      %get3A_24 = arith.constant 0 : index
      %get3A_25 = vector.load %arg3[%get3A_23, %get3A_24] : memref<1x2048xf32, #tpu.memory_space<vmem>>, vector<1x2048xf32>
      %add3A_26 = vector.broadcast %get3A_25 : vector<1x2048xf32> to vector<256x2048xf32>
      %add3A_27 = arith.addf %get3A_22, %add3A_26 : vector<256x2048xf32>
      %tanh3A = math.tanh %add3A_27 : vector<256x2048xf32>
      %get3A_28 = arith.constant 0 : index
      %get3A_29 = arith.constant 0 : index
      %get3A_30 = vector.load %arg4[%get3A_28, %get3A_29] : memref<1x2048xf32, #tpu.memory_space<vmem>>, vector<1x2048xf32>
      %mul3A = vector.broadcast %get3A_30 : vector<1x2048xf32> to vector<256x2048xf32>
      %mul3A_31 = arith.mulf %tanh3A, %mul3A : vector<256x2048xf32>
      %reduce_sum3A = arith.constant dense<0.000000e+00> : vector<256xf32>
      %reduce_sum3A_32 = vector.multi_reduction <add>, %mul3A_31, %reduce_sum3A [1] : vector<256x2048xf32> to vector<256xf32>
      %broadcast_in_dim3A = vector.shape_cast %reduce_sum3A_32 : vector<256xf32> to vector<256x1xf32>
      %get3A_33 = arith.constant 0 : index
      %get3A_34 = arith.constant 0 : index
      %get3A_35 = vector.load %arg6[%get3A_33, %get3A_34] : memref<256x8xf32, #tpu.memory_space<vmem>>, vector<256x8xf32>
      %get3A_36 = arith.constant 0 : index
      %get3A_37 = arith.constant 0 : index
      %get3A_38 = vector.load %arg9[%get3A_36, %get3A_37] : memref<1x1xf32, #tpu.memory_space<vmem>>, vector<1x1xf32>
      %add3A_39 = vector.broadcast %get3A_38 : vector<1x1xf32> to vector<256x1xf32>
      %add3A_40 = arith.addf %broadcast_in_dim3A, %add3A_39 : vector<256x1xf32>
      %logistic3A = arith.negf %add3A_40 : vector<256x1xf32>
      %logistic3A_41 = math.exp %logistic3A : vector<256x1xf32>
      %logistic3A_42 = arith.constant 1.000000e+00 : f32
      %logistic3A_43 = vector.broadcast %logistic3A_42 : f32 to vector<256x1xf32>
      %logistic3A_44 = arith.addf %logistic3A_43, %logistic3A_41 : vector<256x1xf32>
      %logistic3A_45 = arith.divf %logistic3A_43, %logistic3A_44 : vector<256x1xf32>
      %sub3A = arith.constant 1.000000e+00 : f32
      %sub3A_46 = vector.broadcast %sub3A : f32 to vector<256x1xf32>
      %sub3A_47 = arith.subf %sub3A_46, %logistic3A_45 : vector<256x1xf32>
      %get3A_48 = arith.constant 0 : index
      %get3A_49 = arith.constant 0 : index
      %get3A_50 = vector.load %arg8[%get3A_48, %get3A_49] : memref<256x8xf32, #tpu.memory_space<vmem>>, vector<256x1xf32>
      %get3A_51 = arith.constant 0 : index
      %get3A_52 = arith.constant 0 : index
      %get3A_53 = vector.load %arg7[%get3A_51, %get3A_52] : memref<256x8xf32, #tpu.memory_space<vmem>>, vector<256x8xf32>
      %sub3A_54 = vector.broadcast %get3A_50 : vector<256x1xf32> to vector<256x8xf32>
      %sub3A_55 = arith.subf %get3A_53, %sub3A_54 : vector<256x8xf32>
      %mul3A_56 = arith.mulf %sub3A_55, %sub3A_55 : vector<256x8xf32>
      %add3A_57 = arith.constant 9.99999997E-7 : f32
      %add3A_58 = vector.broadcast %add3A_57 : f32 to vector<256x8xf32>
      %add3A_59 = arith.addf %mul3A_56, %add3A_58 : vector<256x8xf32>
      %div3A = arith.constant 3.18309874E-4 : f32
      %div3A_60 = vector.broadcast %div3A : f32 to vector<256x8xf32>
      %div3A_61 = arith.divf %div3A_60, %add3A_59 : vector<256x8xf32>
      %mul3A_62 = vector.broadcast %sub3A_47 : vector<256x1xf32> to vector<256x8xf32>
      %mul3A_63 = arith.mulf %div3A_61, %mul3A_62 : vector<256x8xf32>
      %mul3A_64 = arith.mulf %get3A_35, %mul3A_63 : vector<256x8xf32>
      %reduce_sum3A_65 = arith.constant dense<0.000000e+00> : vector<256xf32>
      %reduce_sum3A_66 = vector.multi_reduction <add>, %mul3A_64, %reduce_sum3A_65 [1] : vector<256x8xf32> to vector<256xf32>
      %broadcast_in_dim3A_67 = vector.shape_cast %reduce_sum3A_66 : vector<256xf32> to vector<256x1xf32>
      %add3A_68 = arith.constant 9.99999971E-10 : f32
      %add3A_69 = vector.broadcast %add3A_68 : f32 to vector<256x1xf32>
      %add3A_70 = arith.addf %broadcast_in_dim3A_67, %add3A_69 : vector<256x1xf32>
      %div3A_71 = vector.broadcast %add3A_70 : vector<256x1xf32> to vector<256x8xf32>
      %div3A_72 = arith.divf %mul3A_64, %div3A_71 : vector<256x8xf32>
      %add3A_73 = arith.constant 9.99999971E-10 : f32
      %add3A_74 = vector.broadcast %add3A_73 : f32 to vector<256x8xf32>
      %add3A_75 = arith.addf %get3A_35, %add3A_74 : vector<256x8xf32>
      %log3A = math.log %add3A_75 : vector<256x8xf32>
      %mul3A_76 = arith.mulf %get3A_35, %log3A : vector<256x8xf32>
      %reduce_sum3A_77 = arith.constant dense<0.000000e+00> : vector<256xf32>
      %reduce_sum3A_78 = vector.multi_reduction <add>, %mul3A_76, %reduce_sum3A_77 [1] : vector<256x8xf32> to vector<256xf32>
      %broadcast_in_dim3A_79 = vector.shape_cast %reduce_sum3A_78 : vector<256xf32> to vector<256x1xf32>
      %neg3A = arith.constant 0.000000e+00 : f32
      %neg3A_80 = vector.broadcast %neg3A : f32 to vector<256x1xf32>
      %neg3A_81 = arith.subf %neg3A_80, %broadcast_in_dim3A_79 : vector<256x1xf32>
      %add3A_82 = arith.constant 9.99999971E-10 : f32
      %add3A_83 = vector.broadcast %add3A_82 : f32 to vector<256x8xf32>
      %add3A_84 = arith.addf %div3A_72, %add3A_83 : vector<256x8xf32>
      %log3A_85 = math.log %add3A_84 : vector<256x8xf32>
      %mul3A_86 = arith.mulf %div3A_72, %log3A_85 : vector<256x8xf32>
      %reduce_sum3A_87 = arith.constant dense<0.000000e+00> : vector<256xf32>
      %reduce_sum3A_88 = vector.multi_reduction <add>, %mul3A_86, %reduce_sum3A_87 [1] : vector<256x8xf32> to vector<256xf32>
      %broadcast_in_dim3A_89 = vector.shape_cast %reduce_sum3A_88 : vector<256xf32> to vector<256x1xf32>
      %neg3A_90 = arith.constant 0.000000e+00 : f32
      %neg3A_91 = vector.broadcast %neg3A_90 : f32 to vector<256x1xf32>
      %neg3A_92 = arith.subf %neg3A_91, %broadcast_in_dim3A_89 : vector<256x1xf32>
      %iota3A = tpu.iota {dimensions = array<i32: 1>} : vector<256x8xi32>
      %reduce_max3A = arith.constant dense<0xFF800000> : vector<256xf32>
      %reduce_max3A_93 = vector.multi_reduction <maximumf>, %div3A_72, %reduce_max3A [1] : vector<256x8xf32> to vector<256xf32>
      %broadcast_in_dim3A_94 = vector.shape_cast %reduce_max3A_93 : vector<256xf32> to vector<256x1xf32>
      %eq3A_95 = vector.broadcast %broadcast_in_dim3A_94 : vector<256x1xf32> to vector<256x8xf32>
      %eq3A_96 = arith.cmpf oeq, %div3A_72, %eq3A_95 : vector<256x8xf32>
      %jit3A = arith.constant 8 : i32
      %broadcast_in_dim3A_97 = vector.broadcast %jit3A : i32 to vector<256x8xi32>
      %select_n3A = arith.select %eq3A_96, %iota3A, %broadcast_in_dim3A_97 : vector<256x8xi1>, vector<256x8xi32>
      %reduce_min3A = arith.constant dense<2147483647> : vector<256xi32>
      %reduce_min3A_98 = vector.multi_reduction <minsi>, %select_n3A, %reduce_min3A [1] : vector<256x8xi32> to vector<256xi32>
      %broadcast_in_dim3A_99 = vector.shape_cast %reduce_min3A_98 : vector<256xi32> to vector<256x1xi32>
      %eq3A_100 = vector.broadcast %broadcast_in_dim3A_99 : vector<256x1xi32> to vector<256x8xi32>
      %eq3A_101 = arith.cmpi eq, %select_n3A, %eq3A_100 : vector<256x8xi32>
      %get3A_102 = arith.constant 0 : index
      %get3A_103 = arith.constant 0 : index
      %get3A_104 = vector.load %arg5[%get3A_102, %get3A_103] : memref<256x8xi32, #tpu.memory_space<vmem>>, vector<256x8xi32>
      %jit3A_105 = arith.constant 0 : i32
      %broadcast_in_dim3A_106 = vector.broadcast %jit3A_105 : i32 to vector<256x8xi32>
      %select_n3A_107 = arith.select %eq3A_101, %get3A_104, %broadcast_in_dim3A_106 : vector<256x8xi1>, vector<256x8xi32>
      %reduce_sum3A_108 = arith.constant dense<0> : vector<256xi32>
      %reduce_sum3A_109 = vector.multi_reduction <add>, %select_n3A_107, %reduce_sum3A_108 [1] : vector<256x8xi32> to vector<256xi32>
      %broadcast_in_dim3A_110 = vector.shape_cast %reduce_sum3A_109 : vector<256xi32> to vector<256x1xi32>
      %swap3A_111 = arith.constant 0 : index
      %swap3A_112 = arith.constant 0 : index
      %swap3A_113 = vector.load %arg10[%swap3A_111, %swap3A_112] : memref<256x1xi32, #tpu.memory_space<vmem>>, vector<256x1xi32>
      tpu.vector_store %arg10[%swap3A_111, %swap3A_112], %broadcast_in_dim3A_110 {strides = array<i32>} : memref<256x1xi32, #tpu.memory_space<vmem>>, vector<256x1xi32>,
      %swap3A_114 = arith.constant 0 : index
      %swap3A_115 = arith.constant 0 : index
      %swap3A_116 = vector.load %arg11[%swap3A_114, %swap3A_115] : memref<256x8xf32, #tpu.memory_space<vmem>>, vector<256x8xf32>
      tpu.vector_store %arg11[%swap3A_114, %swap3A_115], %div3A_72 {strides = array<i32>} : memref<256x8xf32, #tpu.memory_space<vmem>>, vector<256x8xf32>,
      %swap3A_117 = arith.constant 0 : index
      %swap3A_118 = arith.constant 0 : index
      %swap3A_119 = vector.load %arg12[%swap3A_117, %swap3A_118] : memref<256x1xf32, #tpu.memory_space<vmem>>, vector<256x1xf32>
      tpu.vector_store %arg12[%swap3A_117, %swap3A_118], %neg3A_81 {strides = array<i32>} : memref<256x1xf32, #tpu.memory_space<vmem>>, vector<256x1xf32>,
      %swap3A_120 = arith.constant 0 : index
      %swap3A_121 = arith.constant 0 : index
      %swap3A_122 = vector.load %arg13[%swap3A_120, %swap3A_121] : memref<256x1xf32, #tpu.memory_space<vmem>>, vector<256x1xf32>
      tpu.vector_store %arg13[%swap3A_120, %swap3A_121], %neg3A_92 {strides = array<i32>} : memref<256x1xf32, #tpu.memory_space<vmem>>, vector<256x1xf32>,
      %sub3A_123 = arith.subf %neg3A_81, %neg3A_92 : vector<256x1xf32>
      %add3A_124 = arith.constant 9.99999997E-7 : f32
      %add3A_125 = vector.broadcast %add3A_124 : f32 to vector<256x1xf32>
      %add3A_126 = arith.addf %neg3A_81, %add3A_125 : vector<256x1xf32>
      %div3A_127 = arith.divf %sub3A_123, %add3A_126 : vector<256x1xf32>
      %swap3A_128 = arith.constant 0 : index
      %swap3A_129 = arith.constant 0 : index
      %swap3A_130 = vector.load %arg14[%swap3A_128, %swap3A_129] : memref<256x1xf32, #tpu.memory_space<vmem>>, vector<256x1xf32>
      tpu.vector_store %arg14[%swap3A_128, %swap3A_129], %div3A_127 {strides = array<i32>} : memref<256x1xf32, #tpu.memory_space<vmem>>, vector<256x1xf32>,
      %swap3A_131 = arith.constant 0 : index
      %swap3A_132 = arith.constant 0 : index
      %swap3A_133 = vector.load %arg15[%swap3A_131, %swap3A_132] : memref<256x1xf32, #tpu.memory_space<vmem>>, vector<256x1xf32>
      tpu.vector_store %arg15[%swap3A_131, %swap3A_132], %logistic3A_45 {strides = array<i32>} : memref<256x1xf32, #tpu.memory_space<vmem>>, vector<256x1xf32>,
    } else {
    }
    return
  }
  func.func @transform_0(%arg0: i32) -> (i32, i32) {
    %c0_i32 = arith.constant 0 : i32
    %c0_i32_0 = arith.constant 0 : i32
    return %c0_i32, %arg0 : i32, i32
  }
  func.func @transform_1(%arg0: i32) -> (i32, i32) {
    %c0_i32 = arith.constant 0 : i32
    %c0_i32_0 = arith.constant 0 : i32
    return %arg0, %c0_i32 : i32, i32
  }
  func.func @transform_2(%arg0: i32) -> (i32, i32) {
    %c0_i32 = arith.constant 0 : i32
    %c0_i32_0 = arith.constant 0 : i32
    %c0_i32_1 = arith.constant 0 : i32
    return %c0_i32, %c0_i32_0 : i32, i32
  }
  func.func @transform_3(%arg0: i32) -> (i32, i32) {
    %c0_i32 = arith.constant 0 : i32
    %c0_i32_0 = arith.constant 0 : i32
    %c0_i32_1 = arith.constant 0 : i32
    return %c0_i32, %c0_i32_0 : i32, i32
  }
  func.func @transform_4(%arg0: i32) -> (i32, i32) {
    %c0_i32 = arith.constant 0 : i32
    %c0_i32_0 = arith.constant 0 : i32
    %c0_i32_1 = arith.constant 0 : i32
    return %c0_i32, %c0_i32_0 : i32, i32
  }
  func.func @transform_5(%arg0: i32) -> (i32, i32) {
    %c0_i32 = arith.constant 0 : i32
    %c0_i32_0 = arith.constant 0 : i32
    %c0_i32_1 = arith.constant 0 : i32
    return %c0_i32, %c0_i32_0 : i32, i32
  }
  func.func @transform_6(%arg0: i32) -> (i32, i32) {
    %c0_i32 = arith.constant 0 : i32
    %c0_i32_0 = arith.constant 0 : i32
    %c0_i32_1 = arith.constant 0 : i32
    return %c0_i32, %c0_i32_0 : i32, i32
  }
  func.func @transform_7(%arg0: i32) -> (i32, i32) {
    %c0_i32 = arith.constant 0 : i32
    %c0_i32_0 = arith.constant 0 : i32
    %c0_i32_1 = arith.constant 0 : i32
    return %c0_i32, %c0_i32_0 : i32, i32
  }
  func.func @transform_8(%arg0: i32) -> (i32, i32) {
    %c0_i32 = arith.constant 0 : i32
    %c0_i32_0 = arith.constant 0 : i32
    %c0_i32_1 = arith.constant 0 : i32
    return %c0_i32, %c0_i32_0 : i32, i32
  }
  func.func @transform_9(%arg0: i32) -> (i32, i32) {
    %c0_i32 = arith.constant 0 : i32
    %c0_i32_0 = arith.constant 0 : i32
    %c0_i32_1 = arith.constant 0 : i32
    return %c0_i32, %c0_i32_0 : i32, i32
  }
  func.func @transform_10(%arg0: i32) -> (i32, i32) {
    %c0_i32 = arith.constant 0 : i32
    %c0_i32_0 = arith.constant 0 : i32
    %c0_i32_1 = arith.constant 0 : i32
    return %c0_i32, %c0_i32_0 : i32, i32
  }
  func.func @transform_11(%arg0: i32) -> (i32, i32) {
    %c0_i32 = arith.constant 0 : i32
    %c0_i32_0 = arith.constant 0 : i32
    %c0_i32_1 = arith.constant 0 : i32
    return %c0_i32, %c0_i32_0 : i32, i32
  }
  func.func @transform_12(%arg0: i32) -> (i32, i32) {
    %c0_i32 = arith.constant 0 : i32
    %c0_i32_0 = arith.constant 0 : i32
    %c0_i32_1 = arith.constant 0 : i32
    return %c0_i32, %c0_i32_0 : i32, i32
  }
  func.func @transform_13(%arg0: i32) -> (i32, i32) {
    %c0_i32 = arith.constant 0 : i32
    %c0_i32_0 = arith.constant 0 : i32
    %c0_i32_1 = arith.constant 0 : i32
    return %c0_i32, %c0_i32_0 : i32, i32
  }
  func.func @transform_14(%arg0: i32) -> (i32, i32) {
    %c0_i32 = arith.constant 0 : i32
    %c0_i32_0 = arith.constant 0 : i32
    %c0_i32_1 = arith.constant 0 : i32
    return %c0_i32, %c0_i32_0 : i32, i32
  }
}

module attributes {stable_mosaic.version = 14 : i64} {
  func.func @_stats_topk_body(%arg0: i32, %arg1: memref<32x32768xf32, #tpu.memory_space<vmem>>, %arg2: memref<32x8xi32, #tpu.memory_space<vmem>>, %arg3: memref<32x8xf32, #tpu.memory_space<vmem>>, %arg4: memref<32x8xf32, #tpu.memory_space<vmem>>) attributes {dimension_semantics = [#tpu.dimension_semantics<arbitrary>], iteration_bounds = array<i64: 8>, scalar_prefetch = 0 : i64, scratch_operands = 0 : i64, tpu.core_type = #tpu.core_type<tc>, window_params = [{transform_indices = @transform_0, window_bounds = array<i64: 32, 32768>}, {transform_indices = @transform_1, window_bounds = array<i64: 32, 8>}, {transform_indices = @transform_2, window_bounds = array<i64: 32, 8>}, {transform_indices = @transform_3, window_bounds = array<i64: 32, 8>}]} {
    %get3A = arith.constant 0 : index
    %get3A_0 = arith.constant 0 : index
    %get3A_1 = vector.load %arg1[%get3A, %get3A_0] : memref<32x32768xf32, #tpu.memory_space<vmem>>, vector<32x32768xf32>
    %reduce_max3A = arith.constant dense<0xFF800000> : vector<32xf32>
    %reduce_max3A_2 = vector.multi_reduction <maximumf>, %get3A_1, %reduce_max3A [1] : vector<32x32768xf32> to vector<32xf32>
    %broadcast_in_dim3A = vector.shape_cast %reduce_max3A_2 : vector<32xf32> to vector<32x1xf32>
    %sub3A = vector.broadcast %broadcast_in_dim3A : vector<32x1xf32> to vector<32x32768xf32>
    %sub3A_3 = arith.subf %get3A_1, %sub3A : vector<32x32768xf32>
    %exp3A = math.exp %sub3A_3 : vector<32x32768xf32>
    %reduce_sum3A = arith.constant dense<0.000000e+00> : vector<32xf32>
    %reduce_sum3A_4 = vector.multi_reduction <add>, %exp3A, %reduce_sum3A [1] : vector<32x32768xf32> to vector<32xf32>
    %broadcast_in_dim3A_5 = vector.shape_cast %reduce_sum3A_4 : vector<32xf32> to vector<32x1xf32>
    %reduce_sum3A_6 = arith.constant dense<0.000000e+00> : vector<32xf32>
    %reduce_sum3A_7 = vector.multi_reduction <add>, %get3A_1, %reduce_sum3A_6 [1] : vector<32x32768xf32> to vector<32xf32>
    %broadcast_in_dim3A_8 = vector.shape_cast %reduce_sum3A_7 : vector<32xf32> to vector<32x1xf32>
    %div3A = arith.constant 3.276800e+04 : f32
    %div3A_9 = vector.broadcast %div3A : f32 to vector<32x1xf32>
    %div3A_10 = arith.divf %broadcast_in_dim3A_8, %div3A_9 : vector<32x1xf32>
    %iota3A = tpu.iota {dimensions = array<i32: 1>} : vector<32x32768xi32>
    %broadcast_in_dim3A_11 = arith.constant 1.000000e+00 : f32
    %broadcast_in_dim3A_12 = vector.broadcast %broadcast_in_dim3A_11 : f32 to vector<32x1xf32>
    %eq3A = vector.broadcast %broadcast_in_dim3A_12 : vector<32x1xf32> to vector<32x32768xf32>
    %eq3A_13 = arith.cmpf oeq, %exp3A, %eq3A : vector<32x32768xf32>
    %jit3A = arith.constant 32768 : i32
    %broadcast_in_dim3A_14 = vector.broadcast %jit3A : i32 to vector<32x32768xi32>
    %select_n3A = arith.select %eq3A_13, %iota3A, %broadcast_in_dim3A_14 : vector<32x32768xi1>, vector<32x32768xi32>
    %reduce_min3A = arith.constant dense<2147483647> : vector<32xi32>
    %reduce_min3A_15 = vector.multi_reduction <minsi>, %select_n3A, %reduce_min3A [1] : vector<32x32768xi32> to vector<32xi32>
    %broadcast_in_dim3A_16 = vector.shape_cast %reduce_min3A_15 : vector<32xi32> to vector<32x1xi32>
    %eq3A_17 = vector.broadcast %broadcast_in_dim3A_16 : vector<32x1xi32> to vector<32x32768xi32>
    %eq3A_18 = arith.cmpi eq, %select_n3A, %eq3A_17 : vector<32x32768xi32>
    %jit3A_19 = arith.constant -1.000000e+00 : f32
    %broadcast_in_dim3A_20 = vector.broadcast %jit3A_19 : f32 to vector<32x32768xf32>
    %select_n3A_21 = arith.select %eq3A_18, %broadcast_in_dim3A_20, %exp3A : vector<32x32768xi1>, vector<32x32768xf32>
    %reduce_max3A_22 = arith.constant dense<0xFF800000> : vector<32xf32>
    %reduce_max3A_23 = vector.multi_reduction <maximumf>, %select_n3A_21, %reduce_max3A_22 [1] : vector<32x32768xf32> to vector<32xf32>
    %broadcast_in_dim3A_24 = vector.shape_cast %reduce_max3A_23 : vector<32xf32> to vector<32x1xf32>
    %eq3A_25 = vector.broadcast %broadcast_in_dim3A_24 : vector<32x1xf32> to vector<32x32768xf32>
    %eq3A_26 = arith.cmpf oeq, %select_n3A_21, %eq3A_25 : vector<32x32768xf32>
    %jit3A_27 = arith.constant 32768 : i32
    %broadcast_in_dim3A_28 = vector.broadcast %jit3A_27 : i32 to vector<32x32768xi32>
    %select_n3A_29 = arith.select %eq3A_26, %iota3A, %broadcast_in_dim3A_28 : vector<32x32768xi1>, vector<32x32768xi32>
    %reduce_min3A_30 = arith.constant dense<2147483647> : vector<32xi32>
    %reduce_min3A_31 = vector.multi_reduction <minsi>, %select_n3A_29, %reduce_min3A_30 [1] : vector<32x32768xi32> to vector<32xi32>
    %broadcast_in_dim3A_32 = vector.shape_cast %reduce_min3A_31 : vector<32xi32> to vector<32x1xi32>
    %eq3A_33 = vector.broadcast %broadcast_in_dim3A_32 : vector<32x1xi32> to vector<32x32768xi32>
    %eq3A_34 = arith.cmpi eq, %select_n3A_29, %eq3A_33 : vector<32x32768xi32>
    %jit3A_35 = arith.constant -1.000000e+00 : f32
    %broadcast_in_dim3A_36 = vector.broadcast %jit3A_35 : f32 to vector<32x32768xf32>
    %select_n3A_37 = arith.select %eq3A_34, %broadcast_in_dim3A_36, %select_n3A_21 : vector<32x32768xi1>, vector<32x32768xf32>
    %reduce_max3A_38 = arith.constant dense<0xFF800000> : vector<32xf32>
    %reduce_max3A_39 = vector.multi_reduction <maximumf>, %select_n3A_37, %reduce_max3A_38 [1] : vector<32x32768xf32> to vector<32xf32>
    %broadcast_in_dim3A_40 = vector.shape_cast %reduce_max3A_39 : vector<32xf32> to vector<32x1xf32>
    %eq3A_41 = vector.broadcast %broadcast_in_dim3A_40 : vector<32x1xf32> to vector<32x32768xf32>
    %eq3A_42 = arith.cmpf oeq, %select_n3A_37, %eq3A_41 : vector<32x32768xf32>
    %jit3A_43 = arith.constant 32768 : i32
    %broadcast_in_dim3A_44 = vector.broadcast %jit3A_43 : i32 to vector<32x32768xi32>
    %select_n3A_45 = arith.select %eq3A_42, %iota3A, %broadcast_in_dim3A_44 : vector<32x32768xi1>, vector<32x32768xi32>
    %reduce_min3A_46 = arith.constant dense<2147483647> : vector<32xi32>
    %reduce_min3A_47 = vector.multi_reduction <minsi>, %select_n3A_45, %reduce_min3A_46 [1] : vector<32x32768xi32> to vector<32xi32>
    %broadcast_in_dim3A_48 = vector.shape_cast %reduce_min3A_47 : vector<32xi32> to vector<32x1xi32>
    %eq3A_49 = vector.broadcast %broadcast_in_dim3A_48 : vector<32x1xi32> to vector<32x32768xi32>
    %eq3A_50 = arith.cmpi eq, %select_n3A_45, %eq3A_49 : vector<32x32768xi32>
    %jit3A_51 = arith.constant -1.000000e+00 : f32
    %broadcast_in_dim3A_52 = vector.broadcast %jit3A_51 : f32 to vector<32x32768xf32>
    %select_n3A_53 = arith.select %eq3A_50, %broadcast_in_dim3A_52, %select_n3A_37 : vector<32x32768xi1>, vector<32x32768xf32>
    %reduce_max3A_54 = arith.constant dense<0xFF800000> : vector<32xf32>
    %reduce_max3A_55 = vector.multi_reduction <maximumf>, %select_n3A_53, %reduce_max3A_54 [1] : vector<32x32768xf32> to vector<32xf32>
    %broadcast_in_dim3A_56 = vector.shape_cast %reduce_max3A_55 : vector<32xf32> to vector<32x1xf32>
    %eq3A_57 = vector.broadcast %broadcast_in_dim3A_56 : vector<32x1xf32> to vector<32x32768xf32>
    %eq3A_58 = arith.cmpf oeq, %select_n3A_53, %eq3A_57 : vector<32x32768xf32>
    %jit3A_59 = arith.constant 32768 : i32
    %broadcast_in_dim3A_60 = vector.broadcast %jit3A_59 : i32 to vector<32x32768xi32>
    %select_n3A_61 = arith.select %eq3A_58, %iota3A, %broadcast_in_dim3A_60 : vector<32x32768xi1>, vector<32x32768xi32>
    %reduce_min3A_62 = arith.constant dense<2147483647> : vector<32xi32>
    %reduce_min3A_63 = vector.multi_reduction <minsi>, %select_n3A_61, %reduce_min3A_62 [1] : vector<32x32768xi32> to vector<32xi32>
    %broadcast_in_dim3A_64 = vector.shape_cast %reduce_min3A_63 : vector<32xi32> to vector<32x1xi32>
    %eq3A_65 = vector.broadcast %broadcast_in_dim3A_64 : vector<32x1xi32> to vector<32x32768xi32>
    %eq3A_66 = arith.cmpi eq, %select_n3A_61, %eq3A_65 : vector<32x32768xi32>
    %jit3A_67 = arith.constant -1.000000e+00 : f32
    %broadcast_in_dim3A_68 = vector.broadcast %jit3A_67 : f32 to vector<32x32768xf32>
    %select_n3A_69 = arith.select %eq3A_66, %broadcast_in_dim3A_68, %select_n3A_53 : vector<32x32768xi1>, vector<32x32768xf32>
    %reduce_max3A_70 = arith.constant dense<0xFF800000> : vector<32xf32>
    %reduce_max3A_71 = vector.multi_reduction <maximumf>, %select_n3A_69, %reduce_max3A_70 [1] : vector<32x32768xf32> to vector<32xf32>
    %broadcast_in_dim3A_72 = vector.shape_cast %reduce_max3A_71 : vector<32xf32> to vector<32x1xf32>
    %eq3A_73 = vector.broadcast %broadcast_in_dim3A_72 : vector<32x1xf32> to vector<32x32768xf32>
    %eq3A_74 = arith.cmpf oeq, %select_n3A_69, %eq3A_73 : vector<32x32768xf32>
    %jit3A_75 = arith.constant 32768 : i32
    %broadcast_in_dim3A_76 = vector.broadcast %jit3A_75 : i32 to vector<32x32768xi32>
    %select_n3A_77 = arith.select %eq3A_74, %iota3A, %broadcast_in_dim3A_76 : vector<32x32768xi1>, vector<32x32768xi32>
    %reduce_min3A_78 = arith.constant dense<2147483647> : vector<32xi32>
    %reduce_min3A_79 = vector.multi_reduction <minsi>, %select_n3A_77, %reduce_min3A_78 [1] : vector<32x32768xi32> to vector<32xi32>
    %broadcast_in_dim3A_80 = vector.shape_cast %reduce_min3A_79 : vector<32xi32> to vector<32x1xi32>
    %eq3A_81 = vector.broadcast %broadcast_in_dim3A_80 : vector<32x1xi32> to vector<32x32768xi32>
    %eq3A_82 = arith.cmpi eq, %select_n3A_77, %eq3A_81 : vector<32x32768xi32>
    %jit3A_83 = arith.constant -1.000000e+00 : f32
    %broadcast_in_dim3A_84 = vector.broadcast %jit3A_83 : f32 to vector<32x32768xf32>
    %select_n3A_85 = arith.select %eq3A_82, %broadcast_in_dim3A_84, %select_n3A_69 : vector<32x32768xi1>, vector<32x32768xf32>
    %reduce_max3A_86 = arith.constant dense<0xFF800000> : vector<32xf32>
    %reduce_max3A_87 = vector.multi_reduction <maximumf>, %select_n3A_85, %reduce_max3A_86 [1] : vector<32x32768xf32> to vector<32xf32>
    %broadcast_in_dim3A_88 = vector.shape_cast %reduce_max3A_87 : vector<32xf32> to vector<32x1xf32>
    %eq3A_89 = vector.broadcast %broadcast_in_dim3A_88 : vector<32x1xf32> to vector<32x32768xf32>
    %eq3A_90 = arith.cmpf oeq, %select_n3A_85, %eq3A_89 : vector<32x32768xf32>
    %jit3A_91 = arith.constant 32768 : i32
    %broadcast_in_dim3A_92 = vector.broadcast %jit3A_91 : i32 to vector<32x32768xi32>
    %select_n3A_93 = arith.select %eq3A_90, %iota3A, %broadcast_in_dim3A_92 : vector<32x32768xi1>, vector<32x32768xi32>
    %reduce_min3A_94 = arith.constant dense<2147483647> : vector<32xi32>
    %reduce_min3A_95 = vector.multi_reduction <minsi>, %select_n3A_93, %reduce_min3A_94 [1] : vector<32x32768xi32> to vector<32xi32>
    %broadcast_in_dim3A_96 = vector.shape_cast %reduce_min3A_95 : vector<32xi32> to vector<32x1xi32>
    %eq3A_97 = vector.broadcast %broadcast_in_dim3A_96 : vector<32x1xi32> to vector<32x32768xi32>
    %eq3A_98 = arith.cmpi eq, %select_n3A_93, %eq3A_97 : vector<32x32768xi32>
    %jit3A_99 = arith.constant -1.000000e+00 : f32
    %broadcast_in_dim3A_100 = vector.broadcast %jit3A_99 : f32 to vector<32x32768xf32>
    %select_n3A_101 = arith.select %eq3A_98, %broadcast_in_dim3A_100, %select_n3A_85 : vector<32x32768xi1>, vector<32x32768xf32>
    %reduce_max3A_102 = arith.constant dense<0xFF800000> : vector<32xf32>
    %reduce_max3A_103 = vector.multi_reduction <maximumf>, %select_n3A_101, %reduce_max3A_102 [1] : vector<32x32768xf32> to vector<32xf32>
    %broadcast_in_dim3A_104 = vector.shape_cast %reduce_max3A_103 : vector<32xf32> to vector<32x1xf32>
    %eq3A_105 = vector.broadcast %broadcast_in_dim3A_104 : vector<32x1xf32> to vector<32x32768xf32>
    %eq3A_106 = arith.cmpf oeq, %select_n3A_101, %eq3A_105 : vector<32x32768xf32>
    %jit3A_107 = arith.constant 32768 : i32
    %broadcast_in_dim3A_108 = vector.broadcast %jit3A_107 : i32 to vector<32x32768xi32>
    %select_n3A_109 = arith.select %eq3A_106, %iota3A, %broadcast_in_dim3A_108 : vector<32x32768xi1>, vector<32x32768xi32>
    %reduce_min3A_110 = arith.constant dense<2147483647> : vector<32xi32>
    %reduce_min3A_111 = vector.multi_reduction <minsi>, %select_n3A_109, %reduce_min3A_110 [1] : vector<32x32768xi32> to vector<32xi32>
    %broadcast_in_dim3A_112 = vector.shape_cast %reduce_min3A_111 : vector<32xi32> to vector<32x1xi32>
    %eq3A_113 = vector.broadcast %broadcast_in_dim3A_112 : vector<32x1xi32> to vector<32x32768xi32>
    %eq3A_114 = arith.cmpi eq, %select_n3A_109, %eq3A_113 : vector<32x32768xi32>
    %jit3A_115 = arith.constant -1.000000e+00 : f32
    %broadcast_in_dim3A_116 = vector.broadcast %jit3A_115 : f32 to vector<32x32768xf32>
    %select_n3A_117 = arith.select %eq3A_114, %broadcast_in_dim3A_116, %select_n3A_101 : vector<32x32768xi1>, vector<32x32768xf32>
    %reduce_max3A_118 = arith.constant dense<0xFF800000> : vector<32xf32>
    %reduce_max3A_119 = vector.multi_reduction <maximumf>, %select_n3A_117, %reduce_max3A_118 [1] : vector<32x32768xf32> to vector<32xf32>
    %broadcast_in_dim3A_120 = vector.shape_cast %reduce_max3A_119 : vector<32xf32> to vector<32x1xf32>
    %eq3A_121 = vector.broadcast %broadcast_in_dim3A_120 : vector<32x1xf32> to vector<32x32768xf32>
    %eq3A_122 = arith.cmpf oeq, %select_n3A_117, %eq3A_121 : vector<32x32768xf32>
    %jit3A_123 = arith.constant 32768 : i32
    %broadcast_in_dim3A_124 = vector.broadcast %jit3A_123 : i32 to vector<32x32768xi32>
    %select_n3A_125 = arith.select %eq3A_122, %iota3A, %broadcast_in_dim3A_124 : vector<32x32768xi1>, vector<32x32768xi32>
    %reduce_min3A_126 = arith.constant dense<2147483647> : vector<32xi32>
    %reduce_min3A_127 = vector.multi_reduction <minsi>, %select_n3A_125, %reduce_min3A_126 [1] : vector<32x32768xi32> to vector<32xi32>
    %broadcast_in_dim3A_128 = vector.shape_cast %reduce_min3A_127 : vector<32xi32> to vector<32x1xi32>
    %concatenate3A = tpu.concatenate %broadcast_in_dim3A_12, %broadcast_in_dim3A_24, %broadcast_in_dim3A_40, %broadcast_in_dim3A_56, %broadcast_in_dim3A_72, %broadcast_in_dim3A_88, %broadcast_in_dim3A_104, %broadcast_in_dim3A_120 in 1 : vector<32x1xf32>, vector<32x1xf32>, vector<32x1xf32>, vector<32x1xf32>, vector<32x1xf32>, vector<32x1xf32>, vector<32x1xf32>, vector<32x1xf32> -> vector<32x8xf32>
    %div3A_129 = vector.broadcast %broadcast_in_dim3A_5 : vector<32x1xf32> to vector<32x8xf32>
    %div3A_130 = arith.divf %concatenate3A, %div3A_129 : vector<32x8xf32>
    %reduce_sum3A_131 = arith.constant dense<0.000000e+00> : vector<32xf32>
    %reduce_sum3A_132 = vector.multi_reduction <add>, %div3A_130, %reduce_sum3A_131 [1] : vector<32x8xf32> to vector<32xf32>
    %broadcast_in_dim3A_133 = vector.shape_cast %reduce_sum3A_132 : vector<32xf32> to vector<32x1xf32>
    %add3A = arith.constant 9.99999971E-10 : f32
    %add3A_134 = vector.broadcast %add3A : f32 to vector<32x1xf32>
    %add3A_135 = arith.addf %broadcast_in_dim3A_133, %add3A_134 : vector<32x1xf32>
    %div3A_136 = vector.broadcast %add3A_135 : vector<32x1xf32> to vector<32x8xf32>
    %div3A_137 = arith.divf %div3A_130, %div3A_136 : vector<32x8xf32>
    %concatenate3A_138 = tpu.concatenate %broadcast_in_dim3A_16, %broadcast_in_dim3A_32, %broadcast_in_dim3A_48, %broadcast_in_dim3A_64, %broadcast_in_dim3A_80, %broadcast_in_dim3A_96, %broadcast_in_dim3A_112, %broadcast_in_dim3A_128 in 1 : vector<32x1xi32>, vector<32x1xi32>, vector<32x1xi32>, vector<32x1xi32>, vector<32x1xi32>, vector<32x1xi32>, vector<32x1xi32>, vector<32x1xi32> -> vector<32x8xi32>
    %swap3A = arith.constant 0 : index
    %swap3A_139 = arith.constant 0 : index
    %swap3A_140 = vector.load %arg2[%swap3A, %swap3A_139] : memref<32x8xi32, #tpu.memory_space<vmem>>, vector<32x8xi32>
    tpu.vector_store %arg2[%swap3A, %swap3A_139], %concatenate3A_138 {strides = array<i32>} : memref<32x8xi32, #tpu.memory_space<vmem>>, vector<32x8xi32>,
    %swap3A_141 = arith.constant 0 : index
    %swap3A_142 = arith.constant 0 : index
    %swap3A_143 = vector.load %arg3[%swap3A_141, %swap3A_142] : memref<32x8xf32, #tpu.memory_space<vmem>>, vector<32x8xf32>
    tpu.vector_store %arg3[%swap3A_141, %swap3A_142], %div3A_137 {strides = array<i32>} : memref<32x8xf32, #tpu.memory_space<vmem>>, vector<32x8xf32>,
    %broadcast_in_dim3A_144 = vector.shape_cast %div3A_10 : vector<32x1xf32> to vector<32x1xf32>
    %broadcast_in_dim3A_145 = vector.broadcast %broadcast_in_dim3A_144 : vector<32x1xf32> to vector<32x8xf32>
    %swap3A_146 = arith.constant 0 : index
    %swap3A_147 = arith.constant 0 : index
    %swap3A_148 = vector.load %arg4[%swap3A_146, %swap3A_147] : memref<32x8xf32, #tpu.memory_space<vmem>>, vector<32x8xf32>
    tpu.vector_store %arg4[%swap3A_146, %swap3A_147], %broadcast_in_dim3A_145 {strides = array<i32>} : memref<32x8xf32, #tpu.memory_space<vmem>>, vector<32x8xf32>,
    return
  }
  func.func @transform_0(%arg0: i32) -> (i32, i32) {
    %c0_i32 = arith.constant 0 : i32
    %c0_i32_0 = arith.constant 0 : i32
    return %arg0, %c0_i32 : i32, i32
  }
  func.func @transform_1(%arg0: i32) -> (i32, i32) {
    %c0_i32 = arith.constant 0 : i32
    %c0_i32_0 = arith.constant 0 : i32
    return %arg0, %c0_i32 : i32, i32
  }
  func.func @transform_2(%arg0: i32) -> (i32, i32) {
    %c0_i32 = arith.constant 0 : i32
    %c0_i32_0 = arith.constant 0 : i32
    return %arg0, %c0_i32 : i32, i32
  }
  func.func @transform_3(%arg0: i32) -> (i32, i32) {
    %c0_i32 = arith.constant 0 : i32
    %c0_i32_0 = arith.constant 0 : i32
    return %arg0, %c0_i32 : i32, i32
  }
}

</mosaic_0001>

<sc_bundles>
// kernel: kernel.5.cloned.1.call-start
scs
__scs_entry_jumppad:
0x0: {  	(pc) =	sbr.rel $0x88, $3  }
0x1: {  	(tag) =	ssettag $0x0;
	lr =	simm.s32 $0x1  }
0x2: {  	[smem:$0x3F99] =	sst lr;
	_ =	strace $0xD0000000  }
0x3: {  	_ = 	snop  }
0x4: {  	_ = 	snop  }
0x5: {  	_ = 	snop  }
0x6: {  	_ = 	snop  }
0x7: {  	_ = 	snop  }
__scs_overlays_trampoline_lowered:
0x8: {  	[smem:$0x3FA8] =	sst s0  }
0x9: {  	[smem:$0x3FA9] =	sst s1  }
0xa: {  	[smem:$0x3FAA] =	sst s2  }
0xb: {  	[smem:$0x3FAB] =	sst s3  }
0xc: {  	[smem:$0x3FAC] =	sst s4  }
0xd: {  	[smem:$0x3FAD] =	sst s5  }
0xe: {  	[smem:$0x3FAE] =	sst s6  }
0xf: {  	[smem:$0x3FAF] =	sst s7  }
0x10: {  	[smem:$0x3FB0] =	sst s8  }
0x11: {  	[smem:$0x3FB1] =	sst s9;
	s0 =	simm.s32 @!p0 $0x0  }
0x12: {  	s1 =	sld [smem:$0x3F97];
	s0 =	simm.s32 @p0 $0x1  }
0x13: {  	[smem:$0x3FB2] =	sst s0;
	s0 =	simm.s32 @!p1 $0x0  }
0x14: {  	s2 =	sld [smem:$0x3F96];
	s0 =	simm.s32 @p1 $0x1  }
0x15: {  	[smem:$0x3FB3] =	sst s0;
	s0 =	simm.s32 @!p2 $0x0  }
0x16: {  	s3 =	sld [smem:$0x3FDB];
	s0 =	simm.s32 @p2 $0x1  }
0x17: {  	s4 =	simm.s32 $0x1BF5;
	[smem:$0x3FB5] =	sst s0  }
0x18: {  	s0 =	sld [smem:$0x3F98];
	_ =	swait.ge [sflag:s4], $0x0  }
0x19: {  	s7 =	sld [smem:$0x3F99]  }
0x1a: {  	s8 =	sadd.s32 $0xFFFFE003, lr  }
0x1b: {  	s9 =	sadd.s32 $0xFFFFFEF7, lr;
	s5 =	simm.s32 $0xFFFFFFFF;
	p2 =	slt.u32 s8, $0xFFFFF086  }
0x1c: {  	p1 =	slt.u32 s9, $0xF7A;
	s5 =	simm.s32 @!p2 $0x0  }
0x1d: {  	s5 =	simm.s32 @p1 $0x1;
	p0 =	seq.s32 s7, s2  }
0x1e: {  	s7 =	smul.u32 @!p0 $0xF7A, s2;
	p2 =	seq.s32 @!p0 s5, $0x0  }
0x1f: {  	s9 =	smul.u32 $0xF7A, s1;
	s8 =	simm.s32 @!p0 $0x1BF5;
	p2 =	por !p2, p0  }
0x20: {  	[sflag:s8] =	ssyncset.s32 @!p0 $0xFFFFF086;
	s6 =	sadd.s32 @!p0 s3, s7;
	s7 =	simm.s32 @!p0 $0x108  }
0x21: {  	s3 =	sadd.s32 s3, s9;
	s6 =	sadd.s32 @!p0 $0x88, s6;
	s7 =	simm.s32 @p2 $0x1082  }
0x22: {  	[simem:s7], [sflag:s8] =	dma.local @!p0 [hbm:s6], $0xF7A  }
0x23: {  	s9 =	sor.u32 $0xD0000000, s2;
	s6 =	simm.s32 $0x108;
	_ =	swait.ge @!p0 [sflag:s8], $0x0  }
0x24: {  	s3 =	sadd.s32 $0x88, s3;
	s6 =	simm.s32 @!p1 $0x1082;
	[sflag:s4] =	ssyncset.s32 $0xFFFFF086  }
0x25: {  	[simem:s6], [sflag:s4] =	dma.local [hbm:s3], $0xF7A  }
0x26: {  	[smem:$0x3F99] =	sst s1;
	(tag) =	ssettag s2;
	_ =	strace s9  }
0x27: {  	s1 =	sld [smem:$0x3FA9]  }
0x28: {  	s2 =	sld [smem:$0x3FAA]  }
0x29: {  	s4 =	sld [smem:$0x3FAC]  }
0x2a: {  	p0 =	seq.s32 s5, $0x0;
	s5 =	sld [smem:$0x3FAD]  }
0x2b: {  	s6 =	sld [smem:$0x3FAE]  }
0x2c: {  	s7 =	sld [smem:$0x3FAF]  }
0x2d: {  	s3 =	simm.s32 $0x108;
	s8 =	sld [smem:$0x3FB0]  }
0x2e: {  	s3 =	simm.s32 @!p0 $0x1082;
	s9 =	sld [smem:$0x3FB1]  }
0x2f: {  	lr =	sadd.s32 s0, s3;
	s0 =	sld [smem:$0x3FA8]  }
0x30: {  	s3 =	sld [smem:$0x3FAB]  }
0x31: {  	[smem:$0x3FB4] =	sst s10  }
0x32: {  	s10 =	sld [smem:$0x3FB2];
	_ =	sdelay $0x3  }
0x33: {  	p0 =	seq.s32 s10, $0x1;
	s10 =	sld [smem:$0x3FB4];
	_ =	sdelay $0x3  }
0x34: {  	[smem:$0x3FB4] =	sst s10  }
0x35: {  	s10 =	sld [smem:$0x3FB3];
	_ =	sdelay $0x3  }
0x36: {  	p1 =	seq.s32 s10, $0x1;
	s10 =	sld [smem:$0x3FB4];
	_ =	sdelay $0x3  }
0x37: {  	[smem:$0x3FB4] =	sst s10  }
0x38: {  	s10 =	sld [smem:$0x3FB5]  }
0x39: {  	_ = 	snop;
	(pc) =	sbr.ind lr, $3  }
0x3a: {  	_ = 	snop  }
0x3b: {  	_ = 	snop  }
0x3c: {  	p2 =	seq.s32 s10, $0x1;
	s10 =	sld [smem:$0x3FB4]  }
0x3d: {  	_ =	shalt  }
0x3e: {  	_ =	shalt  }
0x3f: {  	_ =	shalt  }
0x40: {  	_ =	shalt  }
0x41: {  	_ =	shalt  }
0x42: {  	_ =	shalt  }
0x43: {  	_ =	shalt  }
0x44: {  	_ =	shalt  }
0x45: {  	_ =	shalt  }
0x46: {  	_ =	shalt  }
0x47: {  	_ =	shalt  }
0x48: {  	_ =	shalt  }
0x49: {  	_ =	shalt  }
0x4a: {  	_ =	shalt  }
0x4b: {  	_ =	shalt  }
0x4c: {  	_ =	shalt  }
0x4d: {  	_ =	shalt  }
0x4e: {  	_ =	shalt  }
0x4f: {  	_ =	shalt  }
0x50: {  	_ =	shalt  }
0x51: {  	_ =	shalt  }
0x52: {  	_ =	shalt  }
0x53: {  	_ =	shalt  }
0x54: {  	_ =	shalt  }
0x55: {  	_ =	shalt  }
0x56: {  	_ =	shalt  }
0x57: {  	_ =	shalt  }
0x58: {  	_ =	shalt  }
0x59: {  	_ =	shalt  }
0x5a: {  	_ =	shalt  }
0x5b: {  	_ =	shalt  }
0x5c: {  	_ =	shalt  }
0x5d: {  	_ =	shalt  }
0x5e: {  	_ =	shalt  }
0x5f: {  	_ =	shalt  }
0x60: {  	_ =	shalt  }
0x61: {  	_ =	shalt  }
0x62: {  	_ =	shalt  }
0x63: {  	_ =	shalt  }
0x64: {  	_ =	shalt  }
0x65: {  	_ =	shalt  }
0x66: {  	_ =	shalt  }
0x67: {  	_ =	shalt  }
0x68: {  	_ =	shalt  }
0x69: {  	_ =	shalt  }
0x6a: {  	_ =	shalt  }
0x6b: {  	_ =	shalt  }
0x6c: {  	_ =	shalt  }
0x6d: {  	_ =	shalt  }
0x6e: {  	_ =	shalt  }
0x6f: {  	_ =	shalt  }
0x70: {  	_ =	shalt  }
0x71: {  	_ =	shalt  }
0x72: {  	_ =	shalt  }
0x73: {  	_ =	shalt  }
0x74: {  	_ =	shalt  }
0x75: {  	_ =	shalt  }
0x76: {  	_ =	shalt  }
0x77: {  	_ =	shalt  }
0x78: {  	_ =	shalt  }
0x79: {  	_ =	shalt  }
0x7a: {  	_ =	shalt  }
0x7b: {  	_ =	shalt  }
0x7c: {  	_ =	shalt  }
0x7d: {  	_ =	shalt  }
0x7e: {  	_ =	shalt  }
0x7f: {  	_ =	shalt  }
0x80: {  	_ =	shalt  }
0x81: {  	_ =	shalt  }
0x82: {  	_ =	shalt  }
0x83: {  	_ =	shalt  }
0x84: {  	_ =	shalt  }
0x85: {  	_ =	shalt  }
0x86: {  	_ =	shalt  }
0x87: {  	_ =	shalt  }
.Lfunc_end0:
.L_simem_size_0:
called_computation_lowered:
.L_overlay_start_0:
0x88: {  	s2 =	sld [smem:$0x3FD9]  }
0x89: {  	s3 =	sld [smem:$0x3FFE];
	_ =	sdelay $0x1  }
0x8a: {  	s1 =	srdreg.scid  }
0x8b: {  	s0 =	sand.u32 $0x1, s1  }
0x8c: {  	s14 =	sshll.u32 s0, $0xA;
	s2 =	sadd.s32 s3, s2  }
0x8d: {  	s2 =	sadd.s32 s2, s14  }
0x8e: {  	[smem:$0x3FC0] =	sst s2  }
0x8f: {  	_ = 	snop  }
0x90: {  	s2 =	sld [smem:$0x3FD0];
	_ =	sdelay $0x2  }
0x91: {  	s15 =	simm.s32 $0xA;
	s4 =	simm.s32 $0x10  }
0x92: {  	[smem:s4], [sflag:s15] =	dma.local [hbm:s2], $0x1  }
0x93: {  	_ =	swait.eq [sflag:s15], $0x1  }
0x94: {  	[sflag:s15] =	ssyncset.done $0x0  }
0x95: {  	[sflag:s15] =	ssyncadd.s32 $0xFFFFFFFF  }
0x96: {  	s16 =	sld [smem:$0x12];
	(tm) =	ssettm $0x1  }
0x97: {  	s17 =	sld [smem:$0x3FFB];
	_ =	sdelay $0x3  }
0x98: {  	_ =	strace s17  }
0x99: {  	s3 =	sld [smem:$0x3FFC];
	_ =	sdelay $0x3  }
0x9a: {  	_ =	strace s3  }
0x9b: {  	s3 =	sld [smem:$0x3FFD];
	_ =	sdelay $0x3  }
0x9c: {  	_ =	strace s3  }
0x9d: {  	_ =	strace $0x8FFFFFFF  }
0x9e: {  	s18 =	sld [smem:$0x3FDB];
	_ =	sdelay $0x1  }
0x9f: {  	s19 =	simm.s32 $_scs_section_size  }
0xa0: {  	s5 =	simm.s32 $_size__tile_overlayer_lowered;
	s6 =	simm.s32 $_tile_overlayer_lowered  }
0xa1: {  	s22 =	simm.s32 $0x1BFF;
	s21 =	sshll.u32 s6, $0x1;
	s3 =	sadd.s32 s19, s18  }
0xa2: {  	s7 =	simm.s32 $0x0;
	s20 =	sshll.u32 s5, $0x1;
	s5 =	sadd.s32 s21, s3  }
0xa3: {  	[timem:s7], [sflag:s22] =	dma.local [hbm:s5], s20  }
0xa4: {  	_ =	swait.ge [sflag:s22], s20  }
0xa5: {  	s4 =	ssub.s32 $0x0, s20;
	[sflag:s22] =	ssyncset.done $0x0  }
0xa6: {  	[sflag:s22] =	ssyncadd.s32 s4;
	_ =	sdelay $0x1  }
0xa7: {  	s23 =	simm.s32 $0x1B8B  }
0xa8: {  	_ =	swait.ge [sflag:s23], $0x1  }
0xa9: {  	[sflag:s23] =	ssyncset.done $0x0  }
0xaa: {  	s25 =	simm.s32 $0x1B8E;
	s24 =	sld [smem:$0x3FFE];
	[sflag:s23] =	ssyncadd.s32 $0xFFFFFFFF  }
0xab: {  	s26 =	simm.s32 $execute0_lowered;
	[smem:$0x3FD2] =	sst s25  }
0xac: {  	s5 =	sshll.u32 s26, $0x1;
	_ =	strace $0x80000046;
	[dreg:$0x1] =	wrdreg $0xFFFFFFFF  }
0xad: {  	s28 =	simm.s32 $_size_execute0_lowered;
	s3 =	sadd.s32 s3, s5;
	[dreg:$0x0] =	wrdreg $0x0  }
0xae: {  	s5 =	sshll.u32 s28, $0x1;
	[dreg:$0x2] =	wrdreg s3  }
0xaf: {  	[dreg:$0x3] =	wrdreg s5  }
0xb0: {  	[dreg:$0x4] =	wrdreg $0xC0  }
0xb1: {  	_ =	task [dreg:s7], $0x5FFFF  }
0xb2: {  	[dreg:$0x1] =	wrdreg $0xFFFFFFFF  }
0xb3: {  	[dreg:$0x0] =	wrdreg $0x60  }
0xb4: {  	[dreg:$0x2] =	wrdreg s24  }
0xb5: {  	[dreg:$0x3] =	wrdreg s16  }
0xb6: {  	[dreg:$0x4] =	wrdreg $0x9  }
0xb7: {  	_ =	task.clear_ibuf [dreg:s7], $0x5FFFF;
	_ =	strace $0x90000046  }
0xb8: {  	s29 =	simm.s32 $0x9;
	_ =	strace $0x80000048  }
0xb9: {  	_ =	swait.ge [sflag:s29], $0x1  }
0xba: {  	[sflag:s29] =	ssyncadd.s32 $0xFFFFFFFF  }
0xbb: {  	_ =	strace $0x90000048  }
0xbc: {  	_ =	sfence  }
0xbd: {  	s30 =	sld [smem:$0x0];
	_ =	sdelay $0x2  }
0xbe: {  	s31 =	sshll.u32 s1, $0xD;
	s1 =	sshrl.u32 s1, $0x2  }
0xbf: {  	s3 =	sand.u32 $0x4000, s31;
	s1 =	sadd.s32 s1, s30  }
0xc0: {  	s0 =	sor.u32 s3, s0;
	s1 =	sshll.u32 s1, $0x11  }
0xc1: {  	s0 =	sor.u32 s1, s0  }
0xc2: {  	s0 =	sadd.s32 $0x8F2B, s0  }
0xc3: {  	[sflag:s0] =	ssyncadd.remote.s32 $0x1  }
0xc4: {  	_ =	sfence.sel $0xFFFF  }
0xc5: {  	[dreg:$0x0] =	wrdreg $0xFFFFFFFF;
	(pc) =	sbr.abs _section_cstart, $3  }
0xc6: {  	[dreg:$0x1] =	wrdreg $0xFFFFFFFF  }
0xc7: {  	_ =	task.clear_ibuf [dreg:s7], $0x2FFFF;
	_ =	strace $0x9FFFFFFF  }
0xc8: {  	(tm) =	ssettm $0x7FFFFFFF  }
0xc9: {  	_ =	shalt  }
tec
execute0_lowered:
.L_overlay_start_1:
0x0: {  	(tag) =	ssettag $0x1  }
0x1: {  	s1 =	rddreg [dreg:$0x0]  }
0x2: {  	s5 =	rddreg [dreg:$0x1]  }
0x3: {  	s0 =	rddreg [dreg:$0x2];
	s3 =	simm.s32 $0x0;
	s4 =	srdreg.scid  }
0x4: {  	s2 =	stileid.u32;
	[smem:$0x7FF] =	sst s3  }
0x5: {  	s7 =	sand.u32 $0x1, s4;
	s4 =	simm.s32 $0x1;
	_ =	strace $0x80000047  }
0x6: {  	[tilespmem:s3], [sflag:$0x1] =	stream.linear.gather [hbm4b:s1+s3], $0x8000, $0x38;
	[tilespmem:$0x8100] =	vst v63  }
0x7: {  	s6 =	sshll.u32 s2, $0x4;
	s8 =	sshll.u32 s7, $0x3;
	_ =	swait.ge [sflag:s4], $0x8000  }
0x8: {  	s8 =	sor.u32 s8, s6;
	[sflag:s4] =	ssyncset.done $0x0  }
0x9: {  	s6 =	simm.s32 $0x8000;
	s5 =	sadd.s32 s5, s8;
	[sflag:s4] =	ssyncadd.s32 $0xFFFF8000  }
0xa: {  	[tilespmem:s6], [sflag:$0x1] =	stream.linear.gather [hbm4b:s5+s3], $0x40, $0x38;
	[tilespmem:$0x8100] =	vst v63  }
0xb: {  	_ =	swait.ge [sflag:s4], $0x40  }
0xc: {  	[sflag:s4] =	ssyncset.done $0x0  }
0xd: {  	[sflag:s4] =	ssyncadd.s32 $0xFFFFFFC0  }
0xe: {  	v0 =	vld [tilespmem:$0x8000];
	_ =	sdelay $0x5  }
0xf: {  	v1 =	vld [tilespmem:$0x8010];
	_ =	sdelay $0x1  }
0x10: {  	v0 =	vld.idx.msk [tilespmem:v0+s3+$0x0], $0xffff;
	_ =	sdelay $0x3  }
0x11: {  	v2 =	vld [tilespmem:$0x8020]  }
0x12: {  	[tilespmem:$0x8080] =	vst v0  }
0x13: {  	v0 =	vld.idx.msk [tilespmem:v1+s3+$0x0], $0xffff;
	_ =	sdelay $0x3  }
0x14: {  	v63 =	vld [tilespmem:$0x8030]  }
0x15: {  	[tilespmem:$0x8090] =	vst v0  }
0x16: {  	v0 =	vld.idx.msk [tilespmem:v2+s3+$0x0], $0xffff;
	_ =	sdelay $0x4  }
0x17: {  	s7 =	ssub.s32 $0x2, s7;
	[tilespmem:$0x80A0] =	vst v0  }
0x18: {  	s9 =	sshrl.u32 s7, $0x1;
	v0 =	vld.idx.msk [tilespmem:v63+s3+$0x0], $0xffff  }
0x19: {  	s9 =	ssub.s32 s7, s9  }
0x1a: {  	s9 =	smax.u32 s9, $0x1  }
0x1b: {  	p0 =	sne.s32 s9, $0x1  }
.Ltmp0:
0x1c: {  	s8 =	sadd.s32 s8, s1;
	(pc) =	sbr.rel @!p0 .LBB2_2-.Ltmp0, $4  }
0x1d: {  	s7 =	sadd.s32 $0x1000, s8;
	s8 =	simm.s32 $0x8080;
	[tilespmem:$0x80B0] =	vst v0  }
0x1e: {  	[hbm4b:s7+s3] =	stream.linear.scatter [tilespmem:s8], [sflag:$0x1], $0x40, $0x38;
	[tilespmem:$0x8100] =	vst v63  }
0x1f: {  	_ =	swait.ge [sflag:s4], $0x40  }
0x20: {  	s9 =	sadd.s32 $0xFFFFFFFF, s9;
	[sflag:s4] =	ssyncset.done $0x0  }
.LBB2_1:
0x21: {  	p0 =	sne.s32 s9, $0x1;
	s9 =	sadd.s32 $0xFFFFFFFF, s9;
	[sflag:s4] =	ssyncadd.s32 $0xFFFFFFC0  }
0x22: {  	[tilespmem:s3], [sflag:$0x1] =	stream.linear.gather [hbm4b:s1+s3], $0x8000, $0x38;
	[tilespmem:$0x8100] =	vst v63  }
0x23: {  	_ =	swait.ge [sflag:s4], $0x8000  }
0x24: {  	[sflag:s4] =	ssyncset.done $0x0  }
0x25: {  	[sflag:s4] =	ssyncadd.s32 $0xFFFF8000  }
0x26: {  	[tilespmem:s6], [sflag:$0x1] =	stream.linear.gather [hbm4b:s5+s3], $0x40, $0x38;
	[tilespmem:$0x8100] =	vst v63  }
0x27: {  	_ =	swait.ge [sflag:s4], $0x40  }
0x28: {  	[sflag:s4] =	ssyncset.done $0x0  }
0x29: {  	[sflag:s4] =	ssyncadd.s32 $0xFFFFFFC0  }
0x2a: {  	v0 =	vld [tilespmem:$0x8000];
	_ =	sdelay $0x6  }
0x2b: {  	v1 =	vld [tilespmem:$0x8010]  }
0x2c: {  	v0 =	vld.idx.msk [tilespmem:v0+s3+$0x0], $0xffff;
	_ =	sdelay $0x5  }
0x2d: {  	[tilespmem:$0x8080] =	vst v0;
	v0 =	vld [tilespmem:$0x8020]  }
0x2e: {  	v1 =	vld.idx.msk [tilespmem:v1+s3+$0x0], $0xffff;
	_ =	sdelay $0x5  }
0x2f: {  	[tilespmem:$0x8090] =	vst v1;
	v1 =	vld [tilespmem:$0x8030]  }
0x30: {  	v0 =	vld.idx.msk [tilespmem:v0+s3+$0x0], $0xffff;
	_ =	sdelay $0x5  }
0x31: {  	[tilespmem:$0x80A0] =	vst v0  }
0x32: {  	v0 =	vld.idx.msk [tilespmem:v1+s3+$0x0], $0xffff;
	_ =	sdelay $0x4  }
.Ltmp1:
0x33: {  	(pc) =	sbr.rel @p0 .LBB2_1-.Ltmp1, $4  }
0x34: {  	[tilespmem:$0x80B0] =	vst v0  }
0x35: {  	[hbm4b:s7+s3] =	stream.linear.scatter [tilespmem:s8], [sflag:$0x1], $0x40, $0x38;
	[tilespmem:$0x8100] =	vst v63  }
0x36: {  	_ =	swait.ge [sflag:s4], $0x40  }
0x37: {  	[sflag:s4] =	ssyncset.done $0x0  }
.LBB2_2:
0x38: {  	[sflag:s4] =	ssyncadd.s32 $0xFFFFFFC0  }
0x39: {  	_ =	sfence.sel $0x180000  }
0x3a: {  	[bflag:$0x0] =	sbarrier.arrive $0xFFFF  }
0x3b: {  	p0 =	sne.s32 s2, $0x0;
	_ =	strace $0x90000047  }
0x3c: {  	s0 =	sadd.s32 @!p0 $0x100000, s0;
	[bflag:$0x2] =	sbarrier.arrive $0xFFFF  }
0x3d: {  	[sflag:s0] =	ssyncadd.tile.s32 @!p0 $0x1;
	_ =	shalt  }
.Lfunc_end2:
_tile_overlayer_lowered:
.L_overlay_start_2:
0x3e: {  	(tag) =	ssettag $0x2  }
0x3f: {  	s0 =	rddreg [dreg:$0x0];
	s2 =	stileid.u32  }
0x40: {  	s1 =	rddreg [dreg:$0x1];
	p0 =	sne.s32 s2, $0x0  }
0x41: {  	s3 =	rddreg [dreg:$0x2];
	[bflag:$0x3] =	sbarrier.arrive $0xFFFF;
	s2 =	simm.s32 @!p0 $0x1C01  }
0x42: {  	[timem:s3], [sflag:s2] =	dma.local @!p0 [hbm:s0], s1  }
0x43: {  	s0 =	simm.s32 @!p0 $0x1  }
0x44: {  	_ =	swait.ge @!p0 [sflag:s0], s1  }
0x45: {  	s1 =	ssub.s32 @!p0 $0x0, s1;
	[sflag:s0] =	ssyncset.done @!p0 $0x0  }
0x46: {  	[sflag:s0] =	ssyncadd.s32 @!p0 s1  }
0x47: {  	[bflag:$0x3] =	sbarrier.arrive $0xFFFF  }
0x48: {  	_ =	shalt  }

</sc_bundles>
